<compile_context>
chip_gen: v7x
topology: tpu7x:2x2x1
jax: 0.10.2.dev20260603
libtpu: 0.0.44.dev20260713+nightly
codegen_flags: <defaults>
</compile_context>

<pallas_src>
import functools

import jax
import jax.numpy as jnp
from jax import lax
from jax.experimental import pallas as pl
from jax.experimental.pallas import tpu as pltpu
from jax.experimental.pallas import tpu_sc as plsc


@functools.lru_cache(maxsize=None)
def _build(B, T, D):
    info = plsc.get_sparse_core_info()
    NC, NS = info.num_cores, info.num_subcores
    NW = NC * NS
    assert B % (8 * NW) == 0
    bpw = B // NW

    mesh = plsc.VectorSubcoreMesh(core_axis_name="c", subcore_axis_name="s")

    @functools.partial(
        pl.kernel,
        mesh=mesh,
        out_type=jax.ShapeDtypeStruct((B, D), jnp.float32),
        scratch_types=[
            pltpu.VMEM((bpw,), jnp.int32),
            pltpu.VMEM((bpw,), jnp.int32),
            pltpu.VMEM((bpw, D), jnp.float32),
            pltpu.SemaphoreType.DMA,
            pltpu.SemaphoreType.DMA,
            pltpu.SemaphoreType.DMA,
            pltpu.SemaphoreType.DMA,
            pltpu.SemaphoreType.DMA,
            pltpu.SemaphoreType.DMA,
        ],
        compiler_params=pltpu.CompilerParams(use_tc_tiling_on_sc=True),
    )
    def fused_gather(xf_hbm, len_hbm, out_hbm, len_v, idx_v, rows_v,
                     sem_l0, sem_l1, sem_g0, sem_g1, sem_w0, sem_w1):
        wid = lax.axis_index("s") * NC + lax.axis_index("c")
        base = wid * bpw
        half = bpw // 2
        lane = lax.iota(jnp.int32, 16)

        l0 = pltpu.make_async_copy(
            len_hbm.at[pl.ds(base, half)], len_v.at[pl.ds(0, half)], sem_l0)
        l0.start()
        l1 = pltpu.make_async_copy(
            len_hbm.at[pl.ds(base + half, half)],
            len_v.at[pl.ds(half, half)], sem_l1)
        l1.start()

        def fill_idx(lo, hi):
            for i in range(lo, hi):
                ln = len_v[pl.ds(i * 16, 16)]
                tv = jnp.where(ln == jnp.int32(0), jnp.int32(T - 1), ln - 1)
                idx_v[pl.ds(i * 16, 16)] = tv * B + (base + i * 16) + lane

        l0.wait()
        fill_idx(0, half // 16)
        g0 = pltpu.make_async_copy(
            xf_hbm.at[idx_v.at[pl.ds(0, half)]], rows_v.at[pl.ds(0, half)],
            sem_g0)
        g0.start()
        l1.wait()
        fill_idx(half // 16, bpw // 16)
        g1 = pltpu.make_async_copy(
            xf_hbm.at[idx_v.at[pl.ds(half, half)]],
            rows_v.at[pl.ds(half, half)], sem_g1)
        g1.start()
        g0.wait()
        w0 = pltpu.make_async_copy(
            rows_v.at[pl.ds(0, half)], out_hbm.at[pl.ds(base, half)], sem_w0)
        w0.start()
        g1.wait()
        w1 = pltpu.make_async_copy(
            rows_v.at[pl.ds(half, half)],
            out_hbm.at[pl.ds(base + half, half)], sem_w1)
        w1.start()
        w0.wait()
        w1.wait()

    return fused_gather


def kernel(x, lengths):
    B, T, D = x.shape
    x_t = jnp.transpose(x, (1, 0, 2))
    return _build(B, T, D)(x_t.reshape(T * B, D), lengths)

# --- scband reference (transcript-rebuilt; emitter-appended) ---
"""Pipeline reference for scband-feature-fusion-41463614275601 (READ-ONLY COPY).

The authoritative reference and input builder live on the scoring server;
editing this copy changes nothing except your own understanding.
"""

import jax, jax.numpy as jnp
import numpy as np

B, T, D = 4096, 50, 128

def setup_inputs(seed: int = 0) -> dict:
    key = jax.random.key(seed)
    kx, kl = jax.random.split(key)
    x = jax.random.normal(kx, (B, T, D), dtype=jnp.float32)
    lengths = jax.random.randint(kl, (B,), 0, T, dtype=jnp.int32)
    return {"x": x, "lengths": lengths}

def reference(x, lengths):
    # Faithful translation of FeatureFusion(method='last'):
    #   for b: x[b, -1, :] = x[b, lengths[b]-1, :]; return x[:, -1, :]
    # This is equivalent to gathering x[b, (lengths[b]-1) mod T, :] per row
    # (torch negative index -1 wraps to T-1, reproduced here with mod).
    Tdim = x.shape[1]
    idx = (lengths.astype(jnp.int32) - 1) % Tdim  # [B]
    out = jnp.take_along_axis(x, idx[:, None, None], axis=1)  # [B, 1, D]
    return out[:, 0, :]

if __name__ == "__main__":
    import jax
    _d = setup_inputs()
    print(jax.jit(kernel)(*tuple(_d.values())))

</pallas_src>

<mosaic_0001>
#map = affine_map<(d0, d1) -> (0, 0)>
#map1 = affine_map<(d0, d1) -> (0)>
module attributes {stable_mosaic.version = 14 : i64} {
  func.func @fused_gather(%arg0: i32, %arg1: i32, %arg2: memref<204800x128xf32, #tpu.memory_space<hbm>>, %arg3: memref<4096xi32, #tpu.memory_space<hbm>>, %arg4: memref<4096x128xf32, #tpu.memory_space<hbm>>, %arg5: memref<128xi32, #tpu.memory_space<vmem>>, %arg6: memref<128xi32, #tpu.memory_space<vmem>>, %arg7: memref<128x128xf32, #tpu.memory_space<vmem>>, %arg8: memref<!tpu.dma_semaphore, #tpu.memory_space<semaphore_mem>>, %arg9: memref<!tpu.dma_semaphore, #tpu.memory_space<semaphore_mem>>, %arg10: memref<!tpu.dma_semaphore, #tpu.memory_space<semaphore_mem>>, %arg11: memref<!tpu.dma_semaphore, #tpu.memory_space<semaphore_mem>>, %arg12: memref<!tpu.dma_semaphore, #tpu.memory_space<semaphore_mem>>, %arg13: memref<!tpu.dma_semaphore, #tpu.memory_space<semaphore_mem>>) attributes {dimension_semantics = [#tpu.dimension_semantics<core_parallel>, #tpu.dimension_semantics<subcore_parallel>], iteration_bounds = array<i64: 2, 16>, scalar_prefetch = 0 : i64, scratch_operands = 9 : i64, tpu.core_type = #tpu.core_type<sc_vector_subcore>, window_params = [{transform_indices = #map}, {transform_indices = #map1}, {transform_indices = #map}]} {
    %mul3A = arith.constant 2 : i32
    %mul3A_0 = arith.muli %arg1, %mul3A : i32
    %add3A = arith.addi %mul3A_0, %arg0 : i32
    %mul3A_1 = arith.constant 128 : i32
    %mul3A_2 = arith.muli %add3A, %mul3A_1 : i32
    %iota3A = tpu.iota {dimensions = array<i32: 0>} : vector<16xi32>
    %dma_start3A = arith.constant 0 : i32
    %dma_start3A_3 = tpu.memref_slice %arg5[%dma_start3A] : memref<128xi32, #tpu.memory_space<vmem>> -> memref<64xi32, #tpu.memory_space<vmem>>
    %dma_start3A_4 = tpu.memref_slice %arg3[%mul3A_2] : memref<4096xi32, #tpu.memory_space<hbm>> -> memref<64xi32, #tpu.memory_space<hbm>>
    %dma_start3A_5 = arith.constant 0 : i32
    %dma_start3A_6 = tpu.memref_slice %arg5[%dma_start3A_5] : memref<128xi32, #tpu.memory_space<vmem>> -> memref<64xi32, #tpu.memory_space<vmem>>
    %dma_start3A_7 = tpu.memref_slice %arg3[%mul3A_2] : memref<4096xi32, #tpu.memory_space<hbm>> -> memref<64xi32, #tpu.memory_space<hbm>>
    tpu.enqueue_dma source(%dma_start3A_7 : memref<64xi32, #tpu.memory_space<hbm>>) target(%dma_start3A_6 : memref<64xi32, #tpu.memory_space<vmem>>) target_semaphore(%arg8 : memref<!tpu.dma_semaphore, #tpu.memory_space<semaphore_mem>>)
    %add3A_8 = arith.constant 64 : i32
    %add3A_9 = arith.addi %mul3A_2, %add3A_8 : i32
    %dma_start3A_10 = arith.constant 64 : i32
    %dma_start3A_11 = tpu.memref_slice %arg5[%dma_start3A_10] : memref<128xi32, #tpu.memory_space<vmem>> -> memref<64xi32, #tpu.memory_space<vmem>>
    %dma_start3A_12 = tpu.memref_slice %arg3[%add3A_9] : memref<4096xi32, #tpu.memory_space<hbm>> -> memref<64xi32, #tpu.memory_space<hbm>>
    %dma_start3A_13 = arith.constant 64 : i32
    %dma_start3A_14 = tpu.memref_slice %arg5[%dma_start3A_13] : memref<128xi32, #tpu.memory_space<vmem>> -> memref<64xi32, #tpu.memory_space<vmem>>
    %dma_start3A_15 = tpu.memref_slice %arg3[%add3A_9] : memref<4096xi32, #tpu.memory_space<hbm>> -> memref<64xi32, #tpu.memory_space<hbm>>
    tpu.enqueue_dma source(%dma_start3A_15 : memref<64xi32, #tpu.memory_space<hbm>>) target(%dma_start3A_14 : memref<64xi32, #tpu.memory_space<vmem>>) target_semaphore(%arg9 : memref<!tpu.dma_semaphore, #tpu.memory_space<semaphore_mem>>)
    %dma_wait3A = arith.constant 0 : i32
    %dma_wait3A_16 = tpu.memref_slice %arg5[%dma_wait3A] : memref<128xi32, #tpu.memory_space<vmem>> -> memref<64xi32, #tpu.memory_space<vmem>>
    %dma_wait3A_17 = tpu.memref_slice %arg3[%mul3A_2] : memref<4096xi32, #tpu.memory_space<hbm>> -> memref<64xi32, #tpu.memory_space<hbm>>
    %dma_wait3A_18 = arith.constant 0 : i32
    %dma_wait3A_19 = tpu.memref_slice %arg5[%dma_wait3A_18] : memref<128xi32, #tpu.memory_space<vmem>> -> memref<64xi32, #tpu.memory_space<vmem>>
    %dma_wait3A_20 = tpu.memref_slice %arg3[%mul3A_2] : memref<4096xi32, #tpu.memory_space<hbm>> -> memref<64xi32, #tpu.memory_space<hbm>>
    tpu.wait_dma2 semaphore(%arg8 : memref<!tpu.dma_semaphore, #tpu.memory_space<semaphore_mem>>) src(%dma_wait3A_20 : memref<64xi32, #tpu.memory_space<hbm>>) dst(%dma_wait3A_19 : memref<64xi32, #tpu.memory_space<vmem>>)
    %get3A = arith.constant 0 : index
    %get3A_21 = tpu.vector_load %arg5[%get3A] {strides = array<i32>} : memref<128xi32, #tpu.memory_space<vmem>>, vector<16xi32>,
    %get3A_22 = vector.shape_cast %get3A_21 : vector<16xi32> to vector<16xi32>
    %eq3A = arith.constant 0 : i32
    %eq3A_23 = vector.broadcast %eq3A : i32 to vector<16xi32>
    %eq3A_24 = arith.cmpi eq, %get3A_22, %eq3A_23 : vector<16xi32>
    %sub3A = arith.constant 1 : i32
    %sub3A_25 = vector.broadcast %sub3A : i32 to vector<16xi32>
    %sub3A_26 = arith.subi %get3A_22, %sub3A_25 : vector<16xi32>
    %jit3A = arith.constant 49 : i32
    %broadcast_in_dim3A = vector.broadcast %jit3A : i32 to vector<16xi32>
    %select_n3A = arith.select %eq3A_24, %broadcast_in_dim3A, %sub3A_26 : vector<16xi1>, vector<16xi32>
    %mul3A_27 = arith.constant 4096 : i32
    %mul3A_28 = vector.broadcast %mul3A_27 : i32 to vector<16xi32>
    %mul3A_29 = arith.muli %select_n3A, %mul3A_28 : vector<16xi32>
    %add3A_30 = arith.constant 0 : i32
    %add3A_31 = arith.addi %mul3A_2, %add3A_30 : i32
    %add3A_32 = vector.broadcast %add3A_31 : i32 to vector<16xi32>
    %add3A_33 = arith.addi %mul3A_29, %add3A_32 : vector<16xi32>
    %add3A_34 = arith.addi %add3A_33, %iota3A : vector<16xi32>
    %swap3A = arith.constant 0 : index
    %swap3A_35 = tpu.vector_load %arg6[%swap3A] {strides = array<i32>} : memref<128xi32, #tpu.memory_space<vmem>>, vector<16xi32>,
    %swap3A_36 = vector.shape_cast %swap3A_35 : vector<16xi32> to vector<16xi32>
    %swap3A_37 = vector.shape_cast %add3A_34 : vector<16xi32> to vector<16xi32>
    tpu.vector_store %arg6[%swap3A], %swap3A_37 {strides = array<i32>} : memref<128xi32, #tpu.memory_space<vmem>>, vector<16xi32>,
    %get3A_38 = arith.constant 16 : index
    %get3A_39 = tpu.vector_load %arg5[%get3A_38] {strides = array<i32>} : memref<128xi32, #tpu.memory_space<vmem>>, vector<16xi32>,
    %get3A_40 = vector.shape_cast %get3A_39 : vector<16xi32> to vector<16xi32>
    %eq3A_41 = arith.constant 0 : i32
    %eq3A_42 = vector.broadcast %eq3A_41 : i32 to vector<16xi32>
    %eq3A_43 = arith.cmpi eq, %get3A_40, %eq3A_42 : vector<16xi32>
    %sub3A_44 = arith.constant 1 : i32
    %sub3A_45 = vector.broadcast %sub3A_44 : i32 to vector<16xi32>
    %sub3A_46 = arith.subi %get3A_40, %sub3A_45 : vector<16xi32>
    %jit3A_47 = arith.constant 49 : i32
    %broadcast_in_dim3A_48 = vector.broadcast %jit3A_47 : i32 to vector<16xi32>
    %select_n3A_49 = arith.select %eq3A_43, %broadcast_in_dim3A_48, %sub3A_46 : vector<16xi1>, vector<16xi32>
    %mul3A_50 = arith.constant 4096 : i32
    %mul3A_51 = vector.broadcast %mul3A_50 : i32 to vector<16xi32>
    %mul3A_52 = arith.muli %select_n3A_49, %mul3A_51 : vector<16xi32>
    %add3A_53 = arith.constant 16 : i32
    %add3A_54 = arith.addi %mul3A_2, %add3A_53 : i32
    %add3A_55 = vector.broadcast %add3A_54 : i32 to vector<16xi32>
    %add3A_56 = arith.addi %mul3A_52, %add3A_55 : vector<16xi32>
    %add3A_57 = arith.addi %add3A_56, %iota3A : vector<16xi32>
    %swap3A_58 = arith.constant 16 : index
    %swap3A_59 = tpu.vector_load %arg6[%swap3A_58] {strides = array<i32>} : memref<128xi32, #tpu.memory_space<vmem>>, vector<16xi32>,
    %swap3A_60 = vector.shape_cast %swap3A_59 : vector<16xi32> to vector<16xi32>
    %swap3A_61 = vector.shape_cast %add3A_57 : vector<16xi32> to vector<16xi32>
    tpu.vector_store %arg6[%swap3A_58], %swap3A_61 {strides = array<i32>} : memref<128xi32, #tpu.memory_space<vmem>>, vector<16xi32>,
    %get3A_62 = arith.constant 32 : index
    %get3A_63 = tpu.vector_load %arg5[%get3A_62] {strides = array<i32>} : memref<128xi32, #tpu.memory_space<vmem>>, vector<16xi32>,
    %get3A_64 = vector.shape_cast %get3A_63 : vector<16xi32> to vector<16xi32>
    %eq3A_65 = arith.constant 0 : i32
    %eq3A_66 = vector.broadcast %eq3A_65 : i32 to vector<16xi32>
    %eq3A_67 = arith.cmpi eq, %get3A_64, %eq3A_66 : vector<16xi32>
    %sub3A_68 = arith.constant 1 : i32
    %sub3A_69 = vector.broadcast %sub3A_68 : i32 to vector<16xi32>
    %sub3A_70 = arith.subi %get3A_64, %sub3A_69 : vector<16xi32>
    %jit3A_71 = arith.constant 49 : i32
    %broadcast_in_dim3A_72 = vector.broadcast %jit3A_71 : i32 to vector<16xi32>
    %select_n3A_73 = arith.select %eq3A_67, %broadcast_in_dim3A_72, %sub3A_70 : vector<16xi1>, vector<16xi32>
    %mul3A_74 = arith.constant 4096 : i32
    %mul3A_75 = vector.broadcast %mul3A_74 : i32 to vector<16xi32>
    %mul3A_76 = arith.muli %select_n3A_73, %mul3A_75 : vector<16xi32>
    %add3A_77 = arith.constant 32 : i32
    %add3A_78 = arith.addi %mul3A_2, %add3A_77 : i32
    %add3A_79 = vector.broadcast %add3A_78 : i32 to vector<16xi32>
    %add3A_80 = arith.addi %mul3A_76, %add3A_79 : vector<16xi32>
    %add3A_81 = arith.addi %add3A_80, %iota3A : vector<16xi32>
    %swap3A_82 = arith.constant 32 : index
    %swap3A_83 = tpu.vector_load %arg6[%swap3A_82] {strides = array<i32>} : memref<128xi32, #tpu.memory_space<vmem>>, vector<16xi32>,
    %swap3A_84 = vector.shape_cast %swap3A_83 : vector<16xi32> to vector<16xi32>
    %swap3A_85 = vector.shape_cast %add3A_81 : vector<16xi32> to vector<16xi32>
    tpu.vector_store %arg6[%swap3A_82], %swap3A_85 {strides = array<i32>} : memref<128xi32, #tpu.memory_space<vmem>>, vector<16xi32>,
    %get3A_86 = arith.constant 48 : index
    %get3A_87 = tpu.vector_load %arg5[%get3A_86] {strides = array<i32>} : memref<128xi32, #tpu.memory_space<vmem>>, vector<16xi32>,
    %get3A_88 = vector.shape_cast %get3A_87 : vector<16xi32> to vector<16xi32>
    %eq3A_89 = arith.constant 0 : i32
    %eq3A_90 = vector.broadcast %eq3A_89 : i32 to vector<16xi32>
    %eq3A_91 = arith.cmpi eq, %get3A_88, %eq3A_90 : vector<16xi32>
    %sub3A_92 = arith.constant 1 : i32
    %sub3A_93 = vector.broadcast %sub3A_92 : i32 to vector<16xi32>
    %sub3A_94 = arith.subi %get3A_88, %sub3A_93 : vector<16xi32>
    %jit3A_95 = arith.constant 49 : i32
    %broadcast_in_dim3A_96 = vector.broadcast %jit3A_95 : i32 to vector<16xi32>
    %select_n3A_97 = arith.select %eq3A_91, %broadcast_in_dim3A_96, %sub3A_94 : vector<16xi1>, vector<16xi32>
    %mul3A_98 = arith.constant 4096 : i32
    %mul3A_99 = vector.broadcast %mul3A_98 : i32 to vector<16xi32>
    %mul3A_100 = arith.muli %select_n3A_97, %mul3A_99 : vector<16xi32>
    %add3A_101 = arith.constant 48 : i32
    %add3A_102 = arith.addi %mul3A_2, %add3A_101 : i32
    %add3A_103 = vector.broadcast %add3A_102 : i32 to vector<16xi32>
    %add3A_104 = arith.addi %mul3A_100, %add3A_103 : vector<16xi32>
    %add3A_105 = arith.addi %add3A_104, %iota3A : vector<16xi32>
    %swap3A_106 = arith.constant 48 : index
    %swap3A_107 = tpu.vector_load %arg6[%swap3A_106] {strides = array<i32>} : memref<128xi32, #tpu.memory_space<vmem>>, vector<16xi32>,
    %swap3A_108 = vector.shape_cast %swap3A_107 : vector<16xi32> to vector<16xi32>
    %swap3A_109 = vector.shape_cast %add3A_105 : vector<16xi32> to vector<16xi32>
    tpu.vector_store %arg6[%swap3A_106], %swap3A_109 {strides = array<i32>} : memref<128xi32, #tpu.memory_space<vmem>>, vector<16xi32>,
    %dma_start3A_110 = arith.constant 0 : i32
    %dma_start3A_111 = arith.constant 0 : i32
    %dma_start3A_112 = tpu.memref_slice %arg7[%dma_start3A_110, %dma_start3A_111] : memref<128x128xf32, #tpu.memory_space<vmem>> -> memref<64x128xf32, #tpu.memory_space<vmem>>
    %dma_start3A_113 = arith.constant 0 : i32
    %dma_start3A_114 = tpu.memref_slice %arg6[%dma_start3A_113] : memref<128xi32, #tpu.memory_space<vmem>> -> memref<64xi32, #tpu.memory_space<vmem>>
    %dma_start3A_115 = arith.constant 0 : i32
    %dma_start3A_116 = arith.constant 0 : i32
    %dma_start3A_117 = tpu.memref_slice %arg2[%dma_start3A_115, %dma_start3A_116] : memref<204800x128xf32, #tpu.memory_space<hbm>> -> memref<204800x128xf32, #tpu.memory_space<hbm>>
    tpu.enqueue_indirect_dma source(%dma_start3A_117 : memref<204800x128xf32, #tpu.memory_space<hbm>>) target(%dma_start3A_112 : memref<64x128xf32, #tpu.memory_space<vmem>>) offsets(%dma_start3A_114 : memref<64xi32, #tpu.memory_space<vmem>>) semaphore(%arg10 : memref<!tpu.dma_semaphore, #tpu.memory_space<semaphore_mem>>)
    %dma_wait3A_118 = arith.constant 64 : i32
    %dma_wait3A_119 = tpu.memref_slice %arg5[%dma_wait3A_118] : memref<128xi32, #tpu.memory_space<vmem>> -> memref<64xi32, #tpu.memory_space<vmem>>
    %dma_wait3A_120 = tpu.memref_slice %arg3[%add3A_9] : memref<4096xi32, #tpu.memory_space<hbm>> -> memref<64xi32, #tpu.memory_space<hbm>>
    %dma_wait3A_121 = arith.constant 64 : i32
    %dma_wait3A_122 = tpu.memref_slice %arg5[%dma_wait3A_121] : memref<128xi32, #tpu.memory_space<vmem>> -> memref<64xi32, #tpu.memory_space<vmem>>
    %dma_wait3A_123 = tpu.memref_slice %arg3[%add3A_9] : memref<4096xi32, #tpu.memory_space<hbm>> -> memref<64xi32, #tpu.memory_space<hbm>>
    tpu.wait_dma2 semaphore(%arg9 : memref<!tpu.dma_semaphore, #tpu.memory_space<semaphore_mem>>) src(%dma_wait3A_123 : memref<64xi32, #tpu.memory_space<hbm>>) dst(%dma_wait3A_122 : memref<64xi32, #tpu.memory_space<vmem>>)
    %get3A_124 = arith.constant 64 : index
    %get3A_125 = tpu.vector_load %arg5[%get3A_124] {strides = array<i32>} : memref<128xi32, #tpu.memory_space<vmem>>, vector<16xi32>,
    %get3A_126 = vector.shape_cast %get3A_125 : vector<16xi32> to vector<16xi32>
    %eq3A_127 = arith.constant 0 : i32
    %eq3A_128 = vector.broadcast %eq3A_127 : i32 to vector<16xi32>
    %eq3A_129 = arith.cmpi eq, %get3A_126, %eq3A_128 : vector<16xi32>
    %sub3A_130 = arith.constant 1 : i32
    %sub3A_131 = vector.broadcast %sub3A_130 : i32 to vector<16xi32>
    %sub3A_132 = arith.subi %get3A_126, %sub3A_131 : vector<16xi32>
    %jit3A_133 = arith.constant 49 : i32
    %broadcast_in_dim3A_134 = vector.broadcast %jit3A_133 : i32 to vector<16xi32>
    %select_n3A_135 = arith.select %eq3A_129, %broadcast_in_dim3A_134, %sub3A_132 : vector<16xi1>, vector<16xi32>
    %mul3A_136 = arith.constant 4096 : i32
    %mul3A_137 = vector.broadcast %mul3A_136 : i32 to vector<16xi32>
    %mul3A_138 = arith.muli %select_n3A_135, %mul3A_137 : vector<16xi32>
    %add3A_139 = arith.constant 64 : i32
    %add3A_140 = arith.addi %mul3A_2, %add3A_139 : i32
    %add3A_141 = vector.broadcast %add3A_140 : i32 to vector<16xi32>
    %add3A_142 = arith.addi %mul3A_138, %add3A_141 : vector<16xi32>
    %add3A_143 = arith.addi %add3A_142, %iota3A : vector<16xi32>
    %swap3A_144 = arith.constant 64 : index
    %swap3A_145 = tpu.vector_load %arg6[%swap3A_144] {strides = array<i32>} : memref<128xi32, #tpu.memory_space<vmem>>, vector<16xi32>,
    %swap3A_146 = vector.shape_cast %swap3A_145 : vector<16xi32> to vector<16xi32>
    %swap3A_147 = vector.shape_cast %add3A_143 : vector<16xi32> to vector<16xi32>
    tpu.vector_store %arg6[%swap3A_144], %swap3A_147 {strides = array<i32>} : memref<128xi32, #tpu.memory_space<vmem>>, vector<16xi32>,
    %get3A_148 = arith.constant 80 : index
    %get3A_149 = tpu.vector_load %arg5[%get3A_148] {strides = array<i32>} : memref<128xi32, #tpu.memory_space<vmem>>, vector<16xi32>,
    %get3A_150 = vector.shape_cast %get3A_149 : vector<16xi32> to vector<16xi32>
    %eq3A_151 = arith.constant 0 : i32
    %eq3A_152 = vector.broadcast %eq3A_151 : i32 to vector<16xi32>
    %eq3A_153 = arith.cmpi eq, %get3A_150, %eq3A_152 : vector<16xi32>
    %sub3A_154 = arith.constant 1 : i32
    %sub3A_155 = vector.broadcast %sub3A_154 : i32 to vector<16xi32>
    %sub3A_156 = arith.subi %get3A_150, %sub3A_155 : vector<16xi32>
    %jit3A_157 = arith.constant 49 : i32
    %broadcast_in_dim3A_158 = vector.broadcast %jit3A_157 : i32 to vector<16xi32>
    %select_n3A_159 = arith.select %eq3A_153, %broadcast_in_dim3A_158, %sub3A_156 : vector<16xi1>, vector<16xi32>
    %mul3A_160 = arith.constant 4096 : i32
    %mul3A_161 = vector.broadcast %mul3A_160 : i32 to vector<16xi32>
    %mul3A_162 = arith.muli %select_n3A_159, %mul3A_161 : vector<16xi32>
    %add3A_163 = arith.constant 80 : i32
    %add3A_164 = arith.addi %mul3A_2, %add3A_163 : i32
    %add3A_165 = vector.broadcast %add3A_164 : i32 to vector<16xi32>
    %add3A_166 = arith.addi %mul3A_162, %add3A_165 : vector<16xi32>
    %add3A_167 = arith.addi %add3A_166, %iota3A : vector<16xi32>
    %swap3A_168 = arith.constant 80 : index
    %swap3A_169 = tpu.vector_load %arg6[%swap3A_168] {strides = array<i32>} : memref<128xi32, #tpu.memory_space<vmem>>, vector<16xi32>,
    %swap3A_170 = vector.shape_cast %swap3A_169 : vector<16xi32> to vector<16xi32>
    %swap3A_171 = vector.shape_cast %add3A_167 : vector<16xi32> to vector<16xi32>
    tpu.vector_store %arg6[%swap3A_168], %swap3A_171 {strides = array<i32>} : memref<128xi32, #tpu.memory_space<vmem>>, vector<16xi32>,
    %get3A_172 = arith.constant 96 : index
    %get3A_173 = tpu.vector_load %arg5[%get3A_172] {strides = array<i32>} : memref<128xi32, #tpu.memory_space<vmem>>, vector<16xi32>,
    %get3A_174 = vector.shape_cast %get3A_173 : vector<16xi32> to vector<16xi32>
    %eq3A_175 = arith.constant 0 : i32
    %eq3A_176 = vector.broadcast %eq3A_175 : i32 to vector<16xi32>
    %eq3A_177 = arith.cmpi eq, %get3A_174, %eq3A_176 : vector<16xi32>
    %sub3A_178 = arith.constant 1 : i32
    %sub3A_179 = vector.broadcast %sub3A_178 : i32 to vector<16xi32>
    %sub3A_180 = arith.subi %get3A_174, %sub3A_179 : vector<16xi32>
    %jit3A_181 = arith.constant 49 : i32
    %broadcast_in_dim3A_182 = vector.broadcast %jit3A_181 : i32 to vector<16xi32>
    %select_n3A_183 = arith.select %eq3A_177, %broadcast_in_dim3A_182, %sub3A_180 : vector<16xi1>, vector<16xi32>
    %mul3A_184 = arith.constant 4096 : i32
    %mul3A_185 = vector.broadcast %mul3A_184 : i32 to vector<16xi32>
    %mul3A_186 = arith.muli %select_n3A_183, %mul3A_185 : vector<16xi32>
    %add3A_187 = arith.constant 96 : i32
    %add3A_188 = arith.addi %mul3A_2, %add3A_187 : i32
    %add3A_189 = vector.broadcast %add3A_188 : i32 to vector<16xi32>
    %add3A_190 = arith.addi %mul3A_186, %add3A_189 : vector<16xi32>
    %add3A_191 = arith.addi %add3A_190, %iota3A : vector<16xi32>
    %swap3A_192 = arith.constant 96 : index
    %swap3A_193 = tpu.vector_load %arg6[%swap3A_192] {strides = array<i32>} : memref<128xi32, #tpu.memory_space<vmem>>, vector<16xi32>,
    %swap3A_194 = vector.shape_cast %swap3A_193 : vector<16xi32> to vector<16xi32>
    %swap3A_195 = vector.shape_cast %add3A_191 : vector<16xi32> to vector<16xi32>
    tpu.vector_store %arg6[%swap3A_192], %swap3A_195 {strides = array<i32>} : memref<128xi32, #tpu.memory_space<vmem>>, vector<16xi32>,
    %get3A_196 = arith.constant 112 : index
    %get3A_197 = tpu.vector_load %arg5[%get3A_196] {strides = array<i32>} : memref<128xi32, #tpu.memory_space<vmem>>, vector<16xi32>,
    %get3A_198 = vector.shape_cast %get3A_197 : vector<16xi32> to vector<16xi32>
    %eq3A_199 = arith.constant 0 : i32
    %eq3A_200 = vector.broadcast %eq3A_199 : i32 to vector<16xi32>
    %eq3A_201 = arith.cmpi eq, %get3A_198, %eq3A_200 : vector<16xi32>
    %sub3A_202 = arith.constant 1 : i32
    %sub3A_203 = vector.broadcast %sub3A_202 : i32 to vector<16xi32>
    %sub3A_204 = arith.subi %get3A_198, %sub3A_203 : vector<16xi32>
    %jit3A_205 = arith.constant 49 : i32
    %broadcast_in_dim3A_206 = vector.broadcast %jit3A_205 : i32 to vector<16xi32>
    %select_n3A_207 = arith.select %eq3A_201, %broadcast_in_dim3A_206, %sub3A_204 : vector<16xi1>, vector<16xi32>
    %mul3A_208 = arith.constant 4096 : i32
    %mul3A_209 = vector.broadcast %mul3A_208 : i32 to vector<16xi32>
    %mul3A_210 = arith.muli %select_n3A_207, %mul3A_209 : vector<16xi32>
    %add3A_211 = arith.constant 112 : i32
    %add3A_212 = arith.addi %mul3A_2, %add3A_211 : i32
    %add3A_213 = vector.broadcast %add3A_212 : i32 to vector<16xi32>
    %add3A_214 = arith.addi %mul3A_210, %add3A_213 : vector<16xi32>
    %add3A_215 = arith.addi %add3A_214, %iota3A : vector<16xi32>
    %swap3A_216 = arith.constant 112 : index
    %swap3A_217 = tpu.vector_load %arg6[%swap3A_216] {strides = array<i32>} : memref<128xi32, #tpu.memory_space<vmem>>, vector<16xi32>,
    %swap3A_218 = vector.shape_cast %swap3A_217 : vector<16xi32> to vector<16xi32>
    %swap3A_219 = vector.shape_cast %add3A_215 : vector<16xi32> to vector<16xi32>
    tpu.vector_store %arg6[%swap3A_216], %swap3A_219 {strides = array<i32>} : memref<128xi32, #tpu.memory_space<vmem>>, vector<16xi32>,
    %dma_start3A_220 = arith.constant 64 : i32
    %dma_start3A_221 = arith.constant 0 : i32
    %dma_start3A_222 = tpu.memref_slice %arg7[%dma_start3A_220, %dma_start3A_221] : memref<128x128xf32, #tpu.memory_space<vmem>> -> memref<64x128xf32, #tpu.memory_space<vmem>>
    %dma_start3A_223 = arith.constant 64 : i32
    %dma_start3A_224 = tpu.memref_slice %arg6[%dma_start3A_223] : memref<128xi32, #tpu.memory_space<vmem>> -> memref<64xi32, #tpu.memory_space<vmem>>
    %dma_start3A_225 = arith.constant 0 : i32
    %dma_start3A_226 = arith.constant 0 : i32
    %dma_start3A_227 = tpu.memref_slice %arg2[%dma_start3A_225, %dma_start3A_226] : memref<204800x128xf32, #tpu.memory_space<hbm>> -> memref<204800x128xf32, #tpu.memory_space<hbm>>
    tpu.enqueue_indirect_dma source(%dma_start3A_227 : memref<204800x128xf32, #tpu.memory_space<hbm>>) target(%dma_start3A_222 : memref<64x128xf32, #tpu.memory_space<vmem>>) offsets(%dma_start3A_224 : memref<64xi32, #tpu.memory_space<vmem>>) semaphore(%arg11 : memref<!tpu.dma_semaphore, #tpu.memory_space<semaphore_mem>>)
    %dma_wait3A_228 = arith.constant 0 : i32
    %dma_wait3A_229 = arith.constant 0 : i32
    %dma_wait3A_230 = tpu.memref_slice %arg7[%dma_wait3A_228, %dma_wait3A_229] : memref<128x128xf32, #tpu.memory_space<vmem>> -> memref<64x128xf32, #tpu.memory_space<vmem>>
    %dma_wait3A_231 = arith.constant 0 : i32
    %dma_wait3A_232 = tpu.memref_slice %arg6[%dma_wait3A_231] : memref<128xi32, #tpu.memory_space<vmem>> -> memref<64xi32, #tpu.memory_space<vmem>>
    %dma_wait3A_233 = arith.constant 0 : i32
    %dma_wait3A_234 = arith.constant 0 : i32
    %dma_wait3A_235 = tpu.memref_slice %arg2[%dma_wait3A_233, %dma_wait3A_234] : memref<204800x128xf32, #tpu.memory_space<hbm>> -> memref<204800x128xf32, #tpu.memory_space<hbm>>
    tpu.wait_indirect_dma semaphore(%arg10 : memref<!tpu.dma_semaphore, #tpu.memory_space<semaphore_mem>>) src(%dma_wait3A_235 : memref<204800x128xf32, #tpu.memory_space<hbm>>) dst(%dma_wait3A_230 : memref<64x128xf32, #tpu.memory_space<vmem>>)
    %dma_start3A_236 = arith.constant 0 : i32
    %dma_start3A_237 = arith.constant 0 : i32
    %dma_start3A_238 = tpu.memref_slice %arg7[%dma_start3A_236, %dma_start3A_237] : memref<128x128xf32, #tpu.memory_space<vmem>> -> memref<64x128xf32, #tpu.memory_space<vmem>>
    %dma_start3A_239 = arith.constant 0 : i32
    %dma_start3A_240 = tpu.memref_slice %arg4[%mul3A_2, %dma_start3A_239] : memref<4096x128xf32, #tpu.memory_space<hbm>> -> memref<64x128xf32, #tpu.memory_space<hbm>>
    %dma_start3A_241 = arith.constant 0 : i32
    %dma_start3A_242 = tpu.memref_slice %arg4[%mul3A_2, %dma_start3A_241] : memref<4096x128xf32, #tpu.memory_space<hbm>> -> memref<64x128xf32, #tpu.memory_space<hbm>>
    %dma_start3A_243 = arith.constant 0 : i32
    %dma_start3A_244 = arith.constant 0 : i32
    %dma_start3A_245 = tpu.memref_slice %arg7[%dma_start3A_243, %dma_start3A_244] : memref<128x128xf32, #tpu.memory_space<vmem>> -> memref<64x128xf32, #tpu.memory_space<vmem>>
    tpu.enqueue_dma source(%dma_start3A_245 : memref<64x128xf32, #tpu.memory_space<vmem>>) target(%dma_start3A_242 : memref<64x128xf32, #tpu.memory_space<hbm>>) target_semaphore(%arg12 : memref<!tpu.dma_semaphore, #tpu.memory_space<semaphore_mem>>)
    %dma_wait3A_246 = arith.constant 64 : i32
    %dma_wait3A_247 = arith.constant 0 : i32
    %dma_wait3A_248 = tpu.memref_slice %arg7[%dma_wait3A_246, %dma_wait3A_247] : memref<128x128xf32, #tpu.memory_space<vmem>> -> memref<64x128xf32, #tpu.memory_space<vmem>>
    %dma_wait3A_249 = arith.constant 64 : i32
    %dma_wait3A_250 = tpu.memref_slice %arg6[%dma_wait3A_249] : memref<128xi32, #tpu.memory_space<vmem>> -> memref<64xi32, #tpu.memory_space<vmem>>
    %dma_wait3A_251 = arith.constant 0 : i32
    %dma_wait3A_252 = arith.constant 0 : i32
    %dma_wait3A_253 = tpu.memref_slice %arg2[%dma_wait3A_251, %dma_wait3A_252] : memref<204800x128xf32, #tpu.memory_space<hbm>> -> memref<204800x128xf32, #tpu.memory_space<hbm>>
    tpu.wait_indirect_dma semaphore(%arg11 : memref<!tpu.dma_semaphore, #tpu.memory_space<semaphore_mem>>) src(%dma_wait3A_253 : memref<204800x128xf32, #tpu.memory_space<hbm>>) dst(%dma_wait3A_248 : memref<64x128xf32, #tpu.memory_space<vmem>>)
    %add3A_254 = arith.constant 64 : i32
    %add3A_255 = arith.addi %mul3A_2, %add3A_254 : i32
    %dma_start3A_256 = arith.constant 64 : i32
    %dma_start3A_257 = arith.constant 0 : i32
    %dma_start3A_258 = tpu.memref_slice %arg7[%dma_start3A_256, %dma_start3A_257] : memref<128x128xf32, #tpu.memory_space<vmem>> -> memref<64x128xf32, #tpu.memory_space<vmem>>
    %dma_start3A_259 = arith.constant 0 : i32
    %dma_start3A_260 = tpu.memref_slice %arg4[%add3A_255, %dma_start3A_259] : memref<4096x128xf32, #tpu.memory_space<hbm>> -> memref<64x128xf32, #tpu.memory_space<hbm>>
    %dma_start3A_261 = arith.constant 0 : i32
    %dma_start3A_262 = tpu.memref_slice %arg4[%add3A_255, %dma_start3A_261] : memref<4096x128xf32, #tpu.memory_space<hbm>> -> memref<64x128xf32, #tpu.memory_space<hbm>>
    %dma_start3A_263 = arith.constant 64 : i32
    %dma_start3A_264 = arith.constant 0 : i32
    %dma_start3A_265 = tpu.memref_slice %arg7[%dma_start3A_263, %dma_start3A_264] : memref<128x128xf32, #tpu.memory_space<vmem>> -> memref<64x128xf32, #tpu.memory_space<vmem>>
    tpu.enqueue_dma source(%dma_start3A_265 : memref<64x128xf32, #tpu.memory_space<vmem>>) target(%dma_start3A_262 : memref<64x128xf32, #tpu.memory_space<hbm>>) target_semaphore(%arg13 : memref<!tpu.dma_semaphore, #tpu.memory_space<semaphore_mem>>)
    %dma_wait3A_266 = arith.constant 0 : i32
    %dma_wait3A_267 = arith.constant 0 : i32
    %dma_wait3A_268 = tpu.memref_slice %arg7[%dma_wait3A_266, %dma_wait3A_267] : memref<128x128xf32, #tpu.memory_space<vmem>> -> memref<64x128xf32, #tpu.memory_space<vmem>>
    %dma_wait3A_269 = arith.constant 0 : i32
    %dma_wait3A_270 = tpu.memref_slice %arg4[%mul3A_2, %dma_wait3A_269] : memref<4096x128xf32, #tpu.memory_space<hbm>> -> memref<64x128xf32, #tpu.memory_space<hbm>>
    %dma_wait3A_271 = arith.constant 0 : i32
    %dma_wait3A_272 = tpu.memref_slice %arg4[%mul3A_2, %dma_wait3A_271] : memref<4096x128xf32, #tpu.memory_space<hbm>> -> memref<64x128xf32, #tpu.memory_space<hbm>>
    %dma_wait3A_273 = arith.constant 0 : i32
    %dma_wait3A_274 = arith.constant 0 : i32
    %dma_wait3A_275 = tpu.memref_slice %arg7[%dma_wait3A_273, %dma_wait3A_274] : memref<128x128xf32, #tpu.memory_space<vmem>> -> memref<64x128xf32, #tpu.memory_space<vmem>>
    tpu.wait_dma2 semaphore(%arg12 : memref<!tpu.dma_semaphore, #tpu.memory_space<semaphore_mem>>) src(%dma_wait3A_275 : memref<64x128xf32, #tpu.memory_space<vmem>>) dst(%dma_wait3A_272 : memref<64x128xf32, #tpu.memory_space<hbm>>)
    %dma_wait3A_276 = arith.constant 64 : i32
    %dma_wait3A_277 = arith.constant 0 : i32
    %dma_wait3A_278 = tpu.memref_slice %arg7[%dma_wait3A_276, %dma_wait3A_277] : memref<128x128xf32, #tpu.memory_space<vmem>> -> memref<64x128xf32, #tpu.memory_space<vmem>>
    %dma_wait3A_279 = arith.constant 0 : i32
    %dma_wait3A_280 = tpu.memref_slice %arg4[%add3A_255, %dma_wait3A_279] : memref<4096x128xf32, #tpu.memory_space<hbm>> -> memref<64x128xf32, #tpu.memory_space<hbm>>
    %dma_wait3A_281 = arith.constant 0 : i32
    %dma_wait3A_282 = tpu.memref_slice %arg4[%add3A_255, %dma_wait3A_281] : memref<4096x128xf32, #tpu.memory_space<hbm>> -> memref<64x128xf32, #tpu.memory_space<hbm>>
    %dma_wait3A_283 = arith.constant 64 : i32
    %dma_wait3A_284 = arith.constant 0 : i32
    %dma_wait3A_285 = tpu.memref_slice %arg7[%dma_wait3A_283, %dma_wait3A_284] : memref<128x128xf32, #tpu.memory_space<vmem>> -> memref<64x128xf32, #tpu.memory_space<vmem>>
    tpu.wait_dma2 semaphore(%arg13 : memref<!tpu.dma_semaphore, #tpu.memory_space<semaphore_mem>>) src(%dma_wait3A_285 : memref<64x128xf32, #tpu.memory_space<vmem>>) dst(%dma_wait3A_282 : memref<64x128xf32, #tpu.memory_space<hbm>>)
    return
  }
}

</mosaic_0001>

<sc_bundles>
// kernel: kernel.3.cloned.1.call-start
scs
__scs_entry_jumppad:
0x0: {  	(pc) =	sbr.rel $0x88, $3  }
0x1: {  	(tag) =	ssettag $0x0;
	lr =	simm.s32 $0x1  }
0x2: {  	[smem:$0x3F9F] =	sst lr;
	_ =	strace $0xD0000000  }
0x3: {  	_ = 	snop  }
0x4: {  	_ = 	snop  }
0x5: {  	_ = 	snop  }
0x6: {  	_ = 	snop  }
0x7: {  	_ = 	snop  }
__scs_overlays_trampoline_lowered:
0x8: {  	[smem:$0x3FAE] =	sst s0  }
0x9: {  	[smem:$0x3FAF] =	sst s1  }
0xa: {  	[smem:$0x3FB0] =	sst s2  }
0xb: {  	[smem:$0x3FB1] =	sst s3  }
0xc: {  	[smem:$0x3FB2] =	sst s4  }
0xd: {  	[smem:$0x3FB3] =	sst s5  }
0xe: {  	[smem:$0x3FB4] =	sst s6  }
0xf: {  	[smem:$0x3FB5] =	sst s7  }
0x10: {  	[smem:$0x3FB6] =	sst s8  }
0x11: {  	[smem:$0x3FB7] =	sst s9;
	s0 =	simm.s32 @!p0 $0x0  }
0x12: {  	s1 =	sld [smem:$0x3F9D];
	s0 =	simm.s32 @p0 $0x1  }
0x13: {  	[smem:$0x3FB8] =	sst s0;
	s0 =	simm.s32 @!p1 $0x0  }
0x14: {  	s2 =	sld [smem:$0x3F9C];
	s0 =	simm.s32 @p1 $0x1  }
0x15: {  	[smem:$0x3FB9] =	sst s0;
	s0 =	simm.s32 @!p2 $0x0  }
0x16: {  	s3 =	sld [smem:$0x3FDB];
	s0 =	simm.s32 @p2 $0x1  }
0x17: {  	s4 =	simm.s32 $0x1BF5;
	[smem:$0x3FBB] =	sst s0  }
0x18: {  	s0 =	sld [smem:$0x3F9E];
	_ =	swait.ge [sflag:s4], $0x0  }
0x19: {  	s7 =	sld [smem:$0x3F9F]  }
0x1a: {  	s8 =	sadd.s32 $0xFFFFE003, lr  }
0x1b: {  	s9 =	sadd.s32 $0xFFFFFEF7, lr;
	s5 =	simm.s32 $0xFFFFFFFF;
	p2 =	slt.u32 s8, $0xFFFFF086  }
0x1c: {  	p1 =	slt.u32 s9, $0xF7A;
	s5 =	simm.s32 @!p2 $0x0  }
0x1d: {  	s5 =	simm.s32 @p1 $0x1;
	p0 =	seq.s32 s7, s2  }
0x1e: {  	s7 =	smul.u32 @!p0 $0xF7A, s2;
	p2 =	seq.s32 @!p0 s5, $0x0  }
0x1f: {  	s9 =	smul.u32 $0xF7A, s1;
	s8 =	simm.s32 @!p0 $0x1BF5;
	p2 =	por !p2, p0  }
0x20: {  	[sflag:s8] =	ssyncset.s32 @!p0 $0xFFFFF086;
	s6 =	sadd.s32 @!p0 s3, s7;
	s7 =	simm.s32 @!p0 $0x108  }
0x21: {  	s3 =	sadd.s32 s3, s9;
	s6 =	sadd.s32 @!p0 $0x88, s6;
	s7 =	simm.s32 @p2 $0x1082  }
0x22: {  	[simem:s7], [sflag:s8] =	dma.local @!p0 [hbm:s6], $0xF7A  }
0x23: {  	s9 =	sor.u32 $0xD0000000, s2;
	s6 =	simm.s32 $0x108;
	_ =	swait.ge @!p0 [sflag:s8], $0x0  }
0x24: {  	s3 =	sadd.s32 $0x88, s3;
	s6 =	simm.s32 @!p1 $0x1082;
	[sflag:s4] =	ssyncset.s32 $0xFFFFF086  }
0x25: {  	[simem:s6], [sflag:s4] =	dma.local [hbm:s3], $0xF7A  }
0x26: {  	[smem:$0x3F9F] =	sst s1;
	(tag) =	ssettag s2;
	_ =	strace s9  }
0x27: {  	s1 =	sld [smem:$0x3FAF]  }
0x28: {  	s2 =	sld [smem:$0x3FB0]  }
0x29: {  	s4 =	sld [smem:$0x3FB2]  }
0x2a: {  	p0 =	seq.s32 s5, $0x0;
	s5 =	sld [smem:$0x3FB3]  }
0x2b: {  	s6 =	sld [smem:$0x3FB4]  }
0x2c: {  	s7 =	sld [smem:$0x3FB5]  }
0x2d: {  	s3 =	simm.s32 $0x108;
	s8 =	sld [smem:$0x3FB6]  }
0x2e: {  	s3 =	simm.s32 @!p0 $0x1082;
	s9 =	sld [smem:$0x3FB7]  }
0x2f: {  	lr =	sadd.s32 s0, s3;
	s0 =	sld [smem:$0x3FAE]  }
0x30: {  	s3 =	sld [smem:$0x3FB1]  }
0x31: {  	[smem:$0x3FBA] =	sst s10  }
0x32: {  	s10 =	sld [smem:$0x3FB8];
	_ =	sdelay $0x3  }
0x33: {  	p0 =	seq.s32 s10, $0x1;
	s10 =	sld [smem:$0x3FBA];
	_ =	sdelay $0x3  }
0x34: {  	[smem:$0x3FBA] =	sst s10  }
0x35: {  	s10 =	sld [smem:$0x3FB9];
	_ =	sdelay $0x3  }
0x36: {  	p1 =	seq.s32 s10, $0x1;
	s10 =	sld [smem:$0x3FBA];
	_ =	sdelay $0x3  }
0x37: {  	[smem:$0x3FBA] =	sst s10  }
0x38: {  	s10 =	sld [smem:$0x3FBB]  }
0x39: {  	_ = 	snop;
	(pc) =	sbr.ind lr, $3  }
0x3a: {  	_ = 	snop  }
0x3b: {  	_ = 	snop  }
0x3c: {  	p2 =	seq.s32 s10, $0x1;
	s10 =	sld [smem:$0x3FBA]  }
0x3d: {  	_ =	shalt  }
0x3e: {  	_ =	shalt  }
0x3f: {  	_ =	shalt  }
0x40: {  	_ =	shalt  }
0x41: {  	_ =	shalt  }
0x42: {  	_ =	shalt  }
0x43: {  	_ =	shalt  }
0x44: {  	_ =	shalt  }
0x45: {  	_ =	shalt  }
0x46: {  	_ =	shalt  }
0x47: {  	_ =	shalt  }
0x48: {  	_ =	shalt  }
0x49: {  	_ =	shalt  }
0x4a: {  	_ =	shalt  }
0x4b: {  	_ =	shalt  }
0x4c: {  	_ =	shalt  }
0x4d: {  	_ =	shalt  }
0x4e: {  	_ =	shalt  }
0x4f: {  	_ =	shalt  }
0x50: {  	_ =	shalt  }
0x51: {  	_ =	shalt  }
0x52: {  	_ =	shalt  }
0x53: {  	_ =	shalt  }
0x54: {  	_ =	shalt  }
0x55: {  	_ =	shalt  }
0x56: {  	_ =	shalt  }
0x57: {  	_ =	shalt  }
0x58: {  	_ =	shalt  }
0x59: {  	_ =	shalt  }
0x5a: {  	_ =	shalt  }
0x5b: {  	_ =	shalt  }
0x5c: {  	_ =	shalt  }
0x5d: {  	_ =	shalt  }
0x5e: {  	_ =	shalt  }
0x5f: {  	_ =	shalt  }
0x60: {  	_ =	shalt  }
0x61: {  	_ =	shalt  }
0x62: {  	_ =	shalt  }
0x63: {  	_ =	shalt  }
0x64: {  	_ =	shalt  }
0x65: {  	_ =	shalt  }
0x66: {  	_ =	shalt  }
0x67: {  	_ =	shalt  }
0x68: {  	_ =	shalt  }
0x69: {  	_ =	shalt  }
0x6a: {  	_ =	shalt  }
0x6b: {  	_ =	shalt  }
0x6c: {  	_ =	shalt  }
0x6d: {  	_ =	shalt  }
0x6e: {  	_ =	shalt  }
0x6f: {  	_ =	shalt  }
0x70: {  	_ =	shalt  }
0x71: {  	_ =	shalt  }
0x72: {  	_ =	shalt  }
0x73: {  	_ =	shalt  }
0x74: {  	_ =	shalt  }
0x75: {  	_ =	shalt  }
0x76: {  	_ =	shalt  }
0x77: {  	_ =	shalt  }
0x78: {  	_ =	shalt  }
0x79: {  	_ =	shalt  }
0x7a: {  	_ =	shalt  }
0x7b: {  	_ =	shalt  }
0x7c: {  	_ =	shalt  }
0x7d: {  	_ =	shalt  }
0x7e: {  	_ =	shalt  }
0x7f: {  	_ =	shalt  }
0x80: {  	_ =	shalt  }
0x81: {  	_ =	shalt  }
0x82: {  	_ =	shalt  }
0x83: {  	_ =	shalt  }
0x84: {  	_ =	shalt  }
0x85: {  	_ =	shalt  }
0x86: {  	_ =	shalt  }
0x87: {  	_ =	shalt  }
.Lfunc_end0:
.L_simem_size_0:
called_computation_lowered:
.L_overlay_start_0:
0x88: {  	s2 =	sld [smem:$0x3FD9]  }
0x89: {  	s3 =	sld [smem:$0x3FFE];
	_ =	sdelay $0x1  }
0x8a: {  	s1 =	srdreg.scid  }
0x8b: {  	s0 =	sand.u32 $0x1, s1  }
0x8c: {  	s18 =	sshll.u32 s0, $0xA;
	s2 =	sadd.s32 s3, s2  }
0x8d: {  	s2 =	sadd.s32 s2, s18  }
0x8e: {  	[smem:$0x3FC6] =	sst s2  }
0x8f: {  	_ = 	snop  }
0x90: {  	s2 =	sld [smem:$0x3FC9]  }
0x91: {  	s19 =	sld [smem:$0x3FC8]  }
0x92: {  	s4 =	sld [smem:$0x3FD0];
	(tm) =	ssettm $0x1  }
0x93: {  	s5 =	sld [smem:$0x3FFB];
	_ =	sdelay $0x3  }
0x94: {  	_ =	strace s5  }
0x95: {  	s5 =	sld [smem:$0x3FFC];
	_ =	sdelay $0x3  }
0x96: {  	_ =	strace s5  }
0x97: {  	s5 =	sld [smem:$0x3FFD];
	_ =	sdelay $0x3  }
0x98: {  	_ =	strace s5  }
0x99: {  	_ =	strace $0x8FFFFFFF  }
0x9a: {  	s20 =	sld [smem:$0x3FDB];
	_ =	sdelay $0x1  }
0x9b: {  	s6 =	simm.s32 $_scs_section_size  }
0x9c: {  	s7 =	simm.s32 $_size__tile_overlayer_lowered;
	s8 =	simm.s32 $_tile_overlayer_lowered  }
0x9d: {  	s23 =	simm.s32 $0x1BFF;
	s22 =	sshll.u32 s8, $0x1;
	s5 =	sadd.s32 s6, s20  }
0x9e: {  	s9 =	simm.s32 $0x0;
	s21 =	sshll.u32 s7, $0x1;
	s7 =	sadd.s32 s22, s5  }
0x9f: {  	[timem:s9], [sflag:s23] =	dma.local [hbm:s7], s21  }
0xa0: {  	_ =	swait.ge [sflag:s23], s21  }
0xa1: {  	s6 =	ssub.s32 $0x0, s21;
	[sflag:s23] =	ssyncset.done $0x0  }
0xa2: {  	[sflag:s23] =	ssyncadd.s32 s6;
	_ =	sdelay $0x1  }
0xa3: {  	s24 =	simm.s32 $0x1B8B  }
0xa4: {  	_ =	swait.ge [sflag:s24], $0x1  }
0xa5: {  	[sflag:s24] =	ssyncset.done $0x0  }
0xa6: {  	s25 =	simm.s32 $0x1B8E;
	[sflag:s24] =	ssyncadd.s32 $0xFFFFFFFF  }
0xa7: {  	s26 =	simm.s32 $execute0_lowered;
	[smem:$0x3FD2] =	sst s25  }
0xa8: {  	s6 =	sshll.u32 s26, $0x1;
	_ =	strace $0x80000046;
	[dreg:$0x1] =	wrdreg $0xFFFFFFFF  }
0xa9: {  	s28 =	simm.s32 $_size_execute0_lowered;
	s5 =	sadd.s32 s5, s6;
	[dreg:$0x0] =	wrdreg $0x0  }
0xaa: {  	s6 =	sshll.u32 s28, $0x1;
	[dreg:$0x2] =	wrdreg s5  }
0xab: {  	[dreg:$0x3] =	wrdreg s6  }
0xac: {  	[dreg:$0x4] =	wrdreg $0xC0  }
0xad: {  	_ =	task [dreg:s9], $0x5FFFF  }
0xae: {  	[dreg:$0x1] =	wrdreg $0xFFFFFFFF  }
0xaf: {  	[dreg:$0x0] =	wrdreg $0x60  }
0xb0: {  	[dreg:$0x2] =	wrdreg s2  }
0xb1: {  	[dreg:$0x3] =	wrdreg s19  }
0xb2: {  	[dreg:$0x4] =	wrdreg s4  }
0xb3: {  	[dreg:$0x5] =	wrdreg $0x9  }
0xb4: {  	_ =	task.clear_ibuf [dreg:s9], $0x6FFFF;
	_ =	strace $0x90000046  }
0xb5: {  	s29 =	simm.s32 $0x9;
	_ =	strace $0x80000048  }
0xb6: {  	_ =	swait.ge [sflag:s29], $0x1  }
0xb7: {  	[sflag:s29] =	ssyncadd.s32 $0xFFFFFFFF  }
0xb8: {  	_ =	strace $0x90000048  }
0xb9: {  	_ =	sfence  }
0xba: {  	s30 =	sld [smem:$0x0];
	_ =	sdelay $0x2  }
0xbb: {  	s31 =	sshll.u32 s1, $0xD;
	s1 =	sshrl.u32 s1, $0x2  }
0xbc: {  	s3 =	sand.u32 $0x4000, s31;
	s1 =	sadd.s32 s1, s30  }
0xbd: {  	s0 =	sor.u32 s3, s0;
	s1 =	sshll.u32 s1, $0x11  }
0xbe: {  	s0 =	sor.u32 s1, s0  }
0xbf: {  	s0 =	sadd.s32 $0x8F2B, s0  }
0xc0: {  	[sflag:s0] =	ssyncadd.remote.s32 $0x1  }
0xc1: {  	_ =	sfence.sel $0xFFFF  }
0xc2: {  	[dreg:$0x0] =	wrdreg $0xFFFFFFFF;
	(pc) =	sbr.abs _section_cstart, $3  }
0xc3: {  	[dreg:$0x1] =	wrdreg $0xFFFFFFFF  }
0xc4: {  	_ =	task.clear_ibuf [dreg:s9], $0x2FFFF;
	_ =	strace $0x9FFFFFFF  }
0xc5: {  	(tm) =	ssettm $0x7FFFFFFF  }
tec
execute0_lowered:
.L_overlay_start_1:
0x0: {  	(tag) =	ssettag $0x1  }
0x1: {  	s2 =	rddreg [dreg:$0x0];
	s1 =	srdreg.scid  }
0x2: {  	s4 =	rddreg [dreg:$0x1];
	s0 =	stileid.u32;
	s14 =	sand.u32 $0x1, s1  }
0x3: {  	s11 =	rddreg [dreg:$0x2];
	s5 =	sshll.u32 s0, $0x8;
	s6 =	sshll.u32 s14, $0x7  }
0x4: {  	s3 =	simm.s32 $0x0;
	s1 =	rddreg [dreg:$0x3];
	s12 =	sor.u32 s6, s5  }
0x5: {  	[smem:$0x7FF] =	sst s3;
	s5 =	sshrl.u32 s12, $0x3;
	s13 =	sor.u32 $0x40, s12  }
0x6: {  	_ =	strace $0x80000047;
	s5 =	sadd.s32 s4, s5;
	s25 =	sshrl.u32 s13, $0x3  }
0x7: {  	[tilespmem:s3], [sflag:$0x1] =	stream.linear.gather [hbm4b:s5+s3], $0x40, $0x38;
	[tilespmem:$0x4100] =	vst v63  }
0x8: {  	s7 =	simm.s32 $0x1;
	s6 =	sadd.s32 s4, s25;
	s4 =	simm.s32 $0x40  }
0x9: {  	[tilespmem:s4], [sflag:$0x2] =	stream.linear.gather [hbm4b:s6+s3], $0x40, $0x38;
	[tilespmem:$0x4100] =	vst v63  }
0xa: {  	_ =	swait.ge [sflag:s7], $0x40  }
0xb: {  	[sflag:s7] =	ssyncset.done $0x0  }
0xc: {  	[sflag:s7] =	ssyncadd.s32 $0xFFFFFFC0  }
0xd: {  	v3 =	vld [tilespmem:$0x20]  }
0xe: {  	v4 =	vld [tilespmem:$0x30]  }
0xf: {  	v5 =	vld [tilespmem:$0x0]  }
0x10: {  	v6 =	vld [tilespmem:$0x10]  }
0x11: {  	v7 =	vlaneseq.u32;
	s8 =	sor.u32 $0x20, s12  }
0x12: {  	v0 =	vor.u32 s12, v7;
	s26 =	sor.u32 $0x30, s12;
	v1 =	vor.u32 s8, v7  }
0x13: {  	v2 =	vor.u32 s26, v7;
	vm0 =	veq.s32 v3, $0x0;
	v3 =	vshll.u32 v3, $0xC  }
0x14: {  	vm1 =	veq.s32 v4, $0x0;
	v4 =	vshll.u32 v4, $0xC;
	v8 =	vshll.u32 v5, $0xC  }
0x15: {  	vm10 =	veq.s32 v5, $0x0;
	v5 =	vshll.u32 v6, $0xC;
	v3 =	vadd.s32 $0xFFFFF000, v3  }
0x16: {  	vm11 =	veq.s32 v6, $0x0;
	v4 =	vadd.s32 $0xFFFFF000, v4;
	v3 =	vsel vm0, $0x31000, v3  }
0x17: {  	v8 =	vadd.s32 $0xFFFFF000, v8;
	v4 =	vsel vm1, $0x31000, v4;
	v3 =	vor.u32 v3, v1  }
0x18: {  	s28 =	sor.u32 $0x10, s12;
	v5 =	vadd.s32 $0xFFFFF000, v5;
	v8 =	vsel vm10, $0x31000, v8;
	v4 =	vor.u32 v4, v2;
	[tilespmem:$0xA0] =	vst v3  }
0x19: {  	v5 =	vsel vm11, $0x31000, v5;
	v3 =	vor.u32 s28, v7;
	[tilespmem:$0xB0] =	vst v4;
	v4 =	vor.u32 v8, v0  }
0x1a: {  	[tilespmem:$0x80] =	vst v4;
	v4 =	vor.u32 v5, v3  }
0x1b: {  	s9 =	simm.s32 $0x80;
	s10 =	simm.s32 $0x2;
	s8 =	simm.s32 $0x100;
	[tilespmem:$0x90] =	vst v4  }
0x1c: {  	[tilespmem:s8], [sflag:$0x3] =	stream.indirect.gather [hbm4b:s2+s4], $0x80, s9, s4, $0xb8;
	[tilespmem:$0x4100] =	vst v63  }
0x1d: {  	_ =	swait.ge [sflag:s10], $0x40  }
0x1e: {  	[sflag:s10] =	ssyncset.done $0x0  }
0x1f: {  	[sflag:s10] =	ssyncadd.s32 $0xFFFFFFC0  }
0x20: {  	v8 =	vld [tilespmem:$0x40]  }
0x21: {  	v9 =	vld [tilespmem:$0x50]  }
0x22: {  	s14 =	ssub.s32 $0x2, s14;
	v10 =	vld [tilespmem:$0x60]  }
0x23: {  	s29 =	sshrl.u32 s14, $0x1;
	s16 =	sor.u32 $0x60, s12;
	v11 =	vld [tilespmem:$0x70]  }
0x24: {  	s15 =	sor.u32 $0x50, s12;
	s14 =	ssub.s32 s14, s29;
	v6 =	vor.u32 s16, v7  }
0x25: {  	s19 =	smax.u32 s14, $0x1;
	v5 =	vor.u32 s15, v7;
	v4 =	vor.u32 s13, v7;
	v12 =	vshll.u32 v8, $0xC  }
0x26: {  	p0 =	sne.s32 s19, $0x1;
	vm12 =	veq.s32 v8, $0x0;
	v61 =	vshll.u32 v9, $0xC;
	vm13 =	veq.s32 v9, $0x0  }
.Ltmp0:
0x27: {  	v62 =	vshll.u32 v10, $0xC;
	vm14 =	veq.s32 v10, $0x0;
	v9 =	vadd.s32 $0xFFFFF000, v61;
	(pc) =	sbr.rel @!p0 .LBB2_2-.Ltmp0, $4  }
0x28: {  	s17 =	simm.s32 $0x3;
	s18 =	simm.s32 $0x5;
	s30 =	sshll.u32 s12, $0x4;
	v63 =	vshll.u32 v11, $0xC;
	v10 =	vadd.s32 $0xFFFFF000, v62;
	v9 =	vsel vm13, $0x31000, v9  }
0x29: {  	s31 =	sor.u32 $0x70, s12;
	s12 =	sadd.s32 s11, s30;
	s14 =	simm.s32 $0x4;
	vm15 =	veq.s32 v11, $0x0;
	v10 =	vsel vm14, $0x31000, v10;
	v9 =	vor.u32 v9, v5  }
0x2a: {  	s19 =	sadd.s32 $0xFFFFFFFF, s19;
	s16 =	simm.s32 $0x6;
	s13 =	sshll.u32 s13, $0x4;
	v8 =	vadd.s32 $0xFFFFF000, v12;
	[tilespmem:$0xD0] =	vst v9;
	v9 =	vor.u32 v10, v6;
	v10 =	vadd.s32 $0xFFFFF000, v63  }
0x2b: {  	s15 =	simm.s32 $0xC0;
	v7 =	vor.u32 s31, v7;
	s11 =	sadd.s32 s11, s13;
	s13 =	simm.s32 $0x2100;
	v8 =	vsel vm12, $0x31000, v8;
	[tilespmem:$0xE0] =	vst v9;
	v9 =	vsel vm15, $0x31000, v10  }
.LBB2_1:
0x2c: {  	p0 =	sne.s32 s19, $0x1;
	s19 =	sadd.s32 $0xFFFFFFFF, s19;
	v9 =	vor.u32 v9, v7  }
0x2d: {  	v8 =	vor.u32 v8, v4;
	[tilespmem:$0xF0] =	vst v9  }
0x2e: {  	[tilespmem:$0xC0] =	vst v8  }
0x2f: {  	[tilespmem:s13], [sflag:$0x4] =	stream.indirect.gather [hbm4b:s2+s4], $0x80, s15, s4, $0xb8;
	[tilespmem:$0x4100] =	vst v63  }
0x30: {  	_ =	swait.ge [sflag:s17], $0x2000  }
0x31: {  	[sflag:s17] =	ssyncset.done $0x0  }
0x32: {  	[sflag:s17] =	ssyncadd.s32 $0xFFFFE000  }
0x33: {  	[hbm4b:s12+s3] =	stream.linear.scatter [tilespmem:s8], [sflag:$0x5], $0x2000, $0x38;
	[tilespmem:$0x4100] =	vst v63  }
0x34: {  	_ =	swait.ge [sflag:s14], $0x2000  }
0x35: {  	[sflag:s14] =	ssyncset.done $0x0  }
0x36: {  	[sflag:s14] =	ssyncadd.s32 $0xFFFFE000  }
0x37: {  	[hbm4b:s11+s3] =	stream.linear.scatter [tilespmem:s13], [sflag:$0x6], $0x2000, $0x38;
	[tilespmem:$0x4100] =	vst v63  }
0x38: {  	_ =	swait.ge [sflag:s18], $0x2000  }
0x39: {  	[sflag:s18] =	ssyncset.done $0x0  }
0x3a: {  	[sflag:s18] =	ssyncadd.s32 $0xFFFFE000  }
0x3b: {  	_ =	swait.ge [sflag:s16], $0x2000  }
0x3c: {  	[sflag:s16] =	ssyncset.done $0x0  }
0x3d: {  	[sflag:s16] =	ssyncadd.s32 $0xFFFFE000  }
0x3e: {  	[tilespmem:s3], [sflag:$0x1] =	stream.linear.gather [hbm4b:s5+s3], $0x40, $0x38;
	[tilespmem:$0x4100] =	vst v63  }
0x3f: {  	_ = 	snop  }
0x40: {  	[tilespmem:s4], [sflag:$0x2] =	stream.linear.gather [hbm4b:s6+s3], $0x40, $0x38;
	[tilespmem:$0x4100] =	vst v63  }
0x41: {  	_ =	swait.ge [sflag:s7], $0x40  }
0x42: {  	[sflag:s7] =	ssyncset.done $0x0  }
0x43: {  	[sflag:s7] =	ssyncadd.s32 $0xFFFFFFC0  }
0x44: {  	v8 =	vld [tilespmem:$0x20]  }
0x45: {  	v9 =	vld [tilespmem:$0x30]  }
0x46: {  	v10 =	vld [tilespmem:$0x0]  }
0x47: {  	v11 =	vld [tilespmem:$0x10];
	_ =	sdelay $0x1  }
0x48: {  	vm0 =	veq.s32 v8, $0x0;
	v8 =	vshll.u32 v8, $0xC  }
0x49: {  	v8 =	vadd.s32 $0xFFFFF000, v8;
	vm1 =	veq.s32 v9, $0x0;
	v9 =	vshll.u32 v9, $0xC  }
0x4a: {  	v12 =	vshll.u32 v10, $0xC;
	v8 =	vsel vm0, $0x31000, v8;
	v9 =	vadd.s32 $0xFFFFF000, v9  }
0x4b: {  	v12 =	vadd.s32 $0xFFFFF000, v12;
	v8 =	vor.u32 v8, v1;
	v9 =	vsel vm1, $0x31000, v9  }
0x4c: {  	vm0 =	veq.s32 v10, $0x0;
	v10 =	vshll.u32 v11, $0xC;
	[tilespmem:$0xA0] =	vst v8;
	v8 =	vor.u32 v9, v2  }
0x4d: {  	v9 =	vsel vm0, $0x31000, v12;
	vm0 =	veq.s32 v11, $0x0;
	v10 =	vadd.s32 $0xFFFFF000, v10;
	[tilespmem:$0xB0] =	vst v8  }
0x4e: {  	v8 =	vor.u32 v9, v0;
	v9 =	vsel vm0, $0x31000, v10  }
0x4f: {  	[tilespmem:$0x80] =	vst v8;
	v8 =	vor.u32 v9, v3  }
0x50: {  	[tilespmem:$0x90] =	vst v8  }
0x51: {  	[tilespmem:s8], [sflag:$0x3] =	stream.indirect.gather [hbm4b:s2+s4], $0x80, s9, s4, $0xb8;
	[tilespmem:$0x4100] =	vst v63  }
0x52: {  	_ =	swait.ge [sflag:s10], $0x40  }
0x53: {  	[sflag:s10] =	ssyncset.done $0x0  }
0x54: {  	[sflag:s10] =	ssyncadd.s32 $0xFFFFFFC0  }
0x55: {  	v8 =	vld [tilespmem:$0x40]  }
0x56: {  	v9 =	vld [tilespmem:$0x50]  }
0x57: {  	v10 =	vld [tilespmem:$0x60]  }
0x58: {  	v11 =	vld [tilespmem:$0x70];
	_ =	sdelay $0x1  }
0x59: {  	v12 =	vshll.u32 v8, $0xC  }
0x5a: {  	vm0 =	veq.s32 v8, $0x0;
	v8 =	vadd.s32 $0xFFFFF000, v12;
	v12 =	vshll.u32 v9, $0xC  }
.Ltmp1:
0x5b: {  	vm1 =	veq.s32 v9, $0x0;
	v9 =	vadd.s32 $0xFFFFF000, v12;
	v12 =	vshll.u32 v10, $0xC;
	(pc) =	sbr.rel @p0 .LBB2_1-.Ltmp1, $4  }
0x5c: {  	v9 =	vsel vm1, $0x31000, v9;
	vm1 =	veq.s32 v10, $0x0;
	v10 =	vadd.s32 $0xFFFFF000, v12  }
0x5d: {  	v12 =	vshll.u32 v11, $0xC;
	v9 =	vor.u32 v9, v5;
	v10 =	vsel vm1, $0x31000, v10  }
0x5e: {  	vm1 =	veq.s32 v11, $0x0;
	[tilespmem:$0xD0] =	vst v9;
	v9 =	vor.u32 v10, v6;
	v10 =	vadd.s32 $0xFFFFF000, v12  }
0x5f: {  	v8 =	vsel vm0, $0x31000, v8;
	[tilespmem:$0xE0] =	vst v9;
	v9 =	vsel vm1, $0x31000, v10  }
.LBB2_2:
0x60: {  	v0 =	vor.u32 v9, v7  }
0x61: {  	v1 =	vor.u32 v8, v4;
	[tilespmem:$0xF0] =	vst v0  }
0x62: {  	[tilespmem:$0xC0] =	vst v1  }
0x63: {  	[tilespmem:s13], [sflag:$0x4] =	stream.indirect.gather [hbm4b:s2+s4], $0x80, s15, s4, $0xb8;
	[tilespmem:$0x4100] =	vst v63  }
0x64: {  	_ =	swait.ge [sflag:s17], $0x2000  }
0x65: {  	[sflag:s17] =	ssyncset.done $0x0  }
0x66: {  	[sflag:s17] =	ssyncadd.s32 $0xFFFFE000  }
0x67: {  	[hbm4b:s12+s3] =	stream.linear.scatter [tilespmem:s8], [sflag:$0x5], $0x2000, $0x38;
	[tilespmem:$0x4100] =	vst v63  }
0x68: {  	_ =	swait.ge [sflag:s14], $0x2000  }
0x69: {  	[sflag:s14] =	ssyncset.done $0x0  }
0x6a: {  	[sflag:s14] =	ssyncadd.s32 $0xFFFFE000  }
0x6b: {  	[hbm4b:s11+s3] =	stream.linear.scatter [tilespmem:s13], [sflag:$0x6], $0x2000, $0x38;
	[tilespmem:$0x4100] =	vst v63  }
0x6c: {  	_ =	swait.ge [sflag:s18], $0x2000  }
0x6d: {  	[sflag:s18] =	ssyncset.done $0x0  }
0x6e: {  	[sflag:s18] =	ssyncadd.s32 $0xFFFFE000  }
0x6f: {  	_ =	swait.ge [sflag:s16], $0x2000  }
0x70: {  	[sflag:s16] =	ssyncset.done $0x0  }
0x71: {  	[sflag:s16] =	ssyncadd.s32 $0xFFFFE000  }
0x72: {  	_ =	sfence.sel $0x180000  }
0x73: {  	[bflag:$0x0] =	sbarrier.arrive $0xFFFF  }
0x74: {  	p0 =	sne.s32 s0, $0x0;
	_ =	strace $0x90000047  }
0x75: {  	s0 =	sadd.s32 @!p0 $0x100000, s1;
	[bflag:$0x2] =	sbarrier.arrive $0xFFFF  }
0x76: {  	[sflag:s0] =	ssyncadd.tile.s32 @!p0 $0x1;
	_ =	shalt  }
.Lfunc_end2:
_tile_overlayer_lowered:
.L_overlay_start_2:
0x77: {  	(tag) =	ssettag $0x2  }
0x78: {  	s0 =	rddreg [dreg:$0x0];
	s2 =	stileid.u32  }
0x79: {  	s1 =	rddreg [dreg:$0x1];
	p0 =	sne.s32 s2, $0x0  }
0x7a: {  	s3 =	rddreg [dreg:$0x2];
	[bflag:$0x3] =	sbarrier.arrive $0xFFFF;
	s2 =	simm.s32 @!p0 $0x1C07  }
0x7b: {  	[timem:s3], [sflag:s2] =	dma.local @!p0 [hbm:s0], s1  }
0x7c: {  	s0 =	simm.s32 @!p0 $0x7  }
0x7d: {  	_ =	swait.ge @!p0 [sflag:s0], s1  }
0x7e: {  	s1 =	ssub.s32 @!p0 $0x0, s1;
	[sflag:s0] =	ssyncset.done @!p0 $0x0  }
0x7f: {  	[sflag:s0] =	ssyncadd.s32 @!p0 s1  }
0x80: {  	[bflag:$0x3] =	sbarrier.arrive $0xFFFF  }
0x81: {  	_ =	shalt  }

</sc_bundles>
